<compile_context>
chip_gen: v7x
topology: tpu7x:2x2x1
jax: 0.10.2.dev20260603
libtpu: 0.0.44.dev20260713+nightly
codegen_flags: <defaults>
</compile_context>

<pallas_src>
import functools

import jax
import jax.numpy as jnp
from jax import lax
from jax.experimental import pallas as pl
from jax.experimental.pallas import tpu as pltpu
from jax.experimental.pallas import tpu_sc as plsc

_N = 1024 * 1024
_INV_T = 10.0

_NC = 2
_NS = 16
_NW = _NC * _NS
_CHUNK = _N // _NW
_L = 16
_UNROLL = 8
_VECS = _CHUNK // _L


def _sc_body(w_hbm, z_hbm, out_hbm, w_v, z_v, o_v):
    wid = lax.axis_index("s") * _NC + lax.axis_index("c")
    base = wid * _CHUNK
    pltpu.sync_copy(w_hbm.at[pl.ds(base, _CHUNK)], w_v)
    pltpu.sync_copy(z_hbm.at[pl.ds(base, _CHUNK)], z_v)

    @plsc.parallel_loop(0, _VECS, step=1, unroll=_UNROLL)
    def _step(i):
        off = i * _L
        x = (w_v[pl.ds(off, _L)] - z_v[pl.ds(off, _L)]) * _INV_T
        o_v[pl.ds(off, _L)] = 1.0 / (1.0 + jnp.exp(-x))
    pltpu.sync_copy(o_v, out_hbm.at[pl.ds(base, _CHUNK)])


def kernel(weights, noises):
    mesh = plsc.VectorSubcoreMesh(core_axis_name="c", subcore_axis_name="s")
    run = pl.kernel(
        _sc_body,
        mesh=mesh,
        out_type=jax.ShapeDtypeStruct((_N,), jnp.float32),
        scratch_types=[
            pltpu.VMEM((_CHUNK,), jnp.float32),
            pltpu.VMEM((_CHUNK,), jnp.float32),
            pltpu.VMEM((_CHUNK,), jnp.float32),
        ],
    )
    return run(weights, noises)

# --- scband reference (transcript-rebuilt; emitter-appended) ---
"""Pipeline reference for scband-generator-32341103739236 (READ-ONLY COPY).

The authoritative reference and input builder live on the scoring server;
editing this copy changes nothing except your own understanding.
"""

import jax, jax.numpy as jnp
import numpy as np

N_G_NODES = 1024
N_CANDIDATE = N_G_NODES * N_G_NODES  # 1048576
TEMPERATURE = 0.1


def setup_inputs(seed: int = 0) -> dict:
    key = jax.random.key(seed)
    k1, k2 = jax.random.split(key)
    # learned parameter: Generator.weights (init_rate < 0 branch -> torch.rand)
    weights = jax.random.uniform(k1, (N_CANDIDATE,), dtype=jnp.float32)
    # forward() draws fresh uniform noise each call; materialize it here so the
    # reference is deterministic
    noises = jax.random.uniform(k2, (N_CANDIDATE,), dtype=jnp.float32)
    return {"weights": weights, "noises": noises}


def reference(weights, noises):
    # Faithful translation of Generator.forward():
    #   noises = torch.rand(n_candidate)
    #   matrix = self.weights - noises
    #   matrix = torch.sigmoid(matrix / self.temperature)
    matrix = weights - noises
    matrix = jax.nn.sigmoid(matrix / TEMPERATURE)
    return matrix

if __name__ == "__main__":
    import jax
    _d = setup_inputs()
    print(jax.jit(kernel)(*tuple(_d.values())))

</pallas_src>

<mosaic_0001>
#map = affine_map<(d0, d1) -> (0)>
module attributes {stable_mosaic.version = 14 : i64} {
  func.func @_sc_body(%arg0: i32, %arg1: i32, %arg2: memref<1048576xf32, #tpu.memory_space<hbm>>, %arg3: memref<1048576xf32, #tpu.memory_space<hbm>>, %arg4: memref<1048576xf32, #tpu.memory_space<hbm>>, %arg5: memref<32768xf32, #tpu.memory_space<vmem>>, %arg6: memref<32768xf32, #tpu.memory_space<vmem>>, %arg7: memref<32768xf32, #tpu.memory_space<vmem>>) attributes {dimension_semantics = [#tpu.dimension_semantics<core_parallel>, #tpu.dimension_semantics<subcore_parallel>], iteration_bounds = array<i64: 2, 16>, scalar_prefetch = 0 : i64, scratch_operands = 3 : i64, tpu.core_type = #tpu.core_type<sc_vector_subcore>, window_params = [{transform_indices = #map}, {transform_indices = #map}, {transform_indices = #map}]} {
    %mul3A = arith.constant 2 : i32
    %mul3A_0 = arith.muli %arg1, %mul3A : i32
    %add3A = arith.addi %mul3A_0, %arg0 : i32
    %mul3A_1 = arith.constant 32768 : i32
    %mul3A_2 = arith.muli %add3A, %mul3A_1 : i32
    "tpu.region"() ({
      %run_scoped3A = tpu.sem_alloc : memref<!tpu.dma_semaphore, #tpu.memory_space<semaphore_mem>>
      %dma_start3A = tpu.memref_slice %arg2[%mul3A_2] : memref<1048576xf32, #tpu.memory_space<hbm>> -> memref<32768xf32, #tpu.memory_space<hbm>>
      %dma_start3A_5 = tpu.memref_slice %arg2[%mul3A_2] : memref<1048576xf32, #tpu.memory_space<hbm>> -> memref<32768xf32, #tpu.memory_space<hbm>>
      tpu.enqueue_dma source(%dma_start3A_5 : memref<32768xf32, #tpu.memory_space<hbm>>) target(%arg5 : memref<32768xf32, #tpu.memory_space<vmem>>) target_semaphore(%run_scoped3A : memref<!tpu.dma_semaphore, #tpu.memory_space<semaphore_mem>>)
      %dma_wait3A = tpu.memref_slice %arg2[%mul3A_2] : memref<1048576xf32, #tpu.memory_space<hbm>> -> memref<32768xf32, #tpu.memory_space<hbm>>
      %dma_wait3A_6 = tpu.memref_slice %arg2[%mul3A_2] : memref<1048576xf32, #tpu.memory_space<hbm>> -> memref<32768xf32, #tpu.memory_space<hbm>>
      tpu.wait_dma2 semaphore(%run_scoped3A : memref<!tpu.dma_semaphore, #tpu.memory_space<semaphore_mem>>) src(%dma_wait3A_6 : memref<32768xf32, #tpu.memory_space<hbm>>) dst(%arg5 : memref<32768xf32, #tpu.memory_space<vmem>>)
      tpu.yield
    }) : () -> ()
    "tpu.region"() ({
      %run_scoped3A = tpu.sem_alloc : memref<!tpu.dma_semaphore, #tpu.memory_space<semaphore_mem>>
      %dma_start3A = tpu.memref_slice %arg3[%mul3A_2] : memref<1048576xf32, #tpu.memory_space<hbm>> -> memref<32768xf32, #tpu.memory_space<hbm>>
      %dma_start3A_5 = tpu.memref_slice %arg3[%mul3A_2] : memref<1048576xf32, #tpu.memory_space<hbm>> -> memref<32768xf32, #tpu.memory_space<hbm>>
      tpu.enqueue_dma source(%dma_start3A_5 : memref<32768xf32, #tpu.memory_space<hbm>>) target(%arg6 : memref<32768xf32, #tpu.memory_space<vmem>>) target_semaphore(%run_scoped3A : memref<!tpu.dma_semaphore, #tpu.memory_space<semaphore_mem>>)
      %dma_wait3A = tpu.memref_slice %arg3[%mul3A_2] : memref<1048576xf32, #tpu.memory_space<hbm>> -> memref<32768xf32, #tpu.memory_space<hbm>>
      %dma_wait3A_6 = tpu.memref_slice %arg3[%mul3A_2] : memref<1048576xf32, #tpu.memory_space<hbm>> -> memref<32768xf32, #tpu.memory_space<hbm>>
      tpu.wait_dma2 semaphore(%run_scoped3A : memref<!tpu.dma_semaphore, #tpu.memory_space<semaphore_mem>>) src(%dma_wait3A_6 : memref<32768xf32, #tpu.memory_space<hbm>>) dst(%arg6 : memref<32768xf32, #tpu.memory_space<vmem>>)
      tpu.yield
    }) : () -> ()
    %parallel_loop3A = arith.constant 0 : i32
    %parallel_loop3A_3 = arith.constant 2048 : i32
    %parallel_loop3A_4 = arith.constant 1 : i32
    scf.for %parallel_loop3A_5 = %parallel_loop3A to %parallel_loop3A_3 step %parallel_loop3A_4  : i32 {
      %parallel_loop3A_6 = arith.constant 16 : i32
      %parallel_loop3A_7 = arith.muli %parallel_loop3A_5, %parallel_loop3A_6 : i32
      %parallel_loop3A_8 = arith.index_cast %parallel_loop3A_7 : i32 to index
      %parallel_loop3A_9 = tpu.vector_load %arg5[%parallel_loop3A_8] {strides = array<i32>} : memref<32768xf32, #tpu.memory_space<vmem>>, vector<16xf32>,
      %parallel_loop3A_10 = vector.shape_cast %parallel_loop3A_9 : vector<16xf32> to vector<16xf32>
      %parallel_loop3A_11 = arith.index_cast %parallel_loop3A_7 : i32 to index
      %parallel_loop3A_12 = tpu.vector_load %arg6[%parallel_loop3A_11] {strides = array<i32>} : memref<32768xf32, #tpu.memory_space<vmem>>, vector<16xf32>,
      %parallel_loop3A_13 = vector.shape_cast %parallel_loop3A_12 : vector<16xf32> to vector<16xf32>
      %parallel_loop3A_14 = arith.subf %parallel_loop3A_10, %parallel_loop3A_13 : vector<16xf32>
      %parallel_loop3A_15 = arith.constant 1.000000e+01 : f32
      %parallel_loop3A_16 = vector.broadcast %parallel_loop3A_15 : f32 to vector<16xf32>
      %parallel_loop3A_17 = arith.mulf %parallel_loop3A_14, %parallel_loop3A_16 : vector<16xf32>
      %parallel_loop3A_18 = arith.constant 0.000000e+00 : f32
      %parallel_loop3A_19 = vector.broadcast %parallel_loop3A_18 : f32 to vector<16xf32>
      %parallel_loop3A_20 = arith.subf %parallel_loop3A_19, %parallel_loop3A_17 : vector<16xf32>
      %parallel_loop3A_21 = math.exp %parallel_loop3A_20 : vector<16xf32>
      %parallel_loop3A_22 = arith.constant 1.000000e+00 : f32
      %parallel_loop3A_23 = vector.broadcast %parallel_loop3A_22 : f32 to vector<16xf32>
      %parallel_loop3A_24 = arith.addf %parallel_loop3A_23, %parallel_loop3A_21 : vector<16xf32>
      %parallel_loop3A_25 = arith.constant 1.000000e+00 : f32
      %parallel_loop3A_26 = vector.broadcast %parallel_loop3A_25 : f32 to vector<16xf32>
      %parallel_loop3A_27 = arith.divf %parallel_loop3A_26, %parallel_loop3A_24 : vector<16xf32>
      %parallel_loop3A_28 = arith.index_cast %parallel_loop3A_7 : i32 to index
      %parallel_loop3A_29 = tpu.vector_load %arg7[%parallel_loop3A_28] {strides = array<i32>} : memref<32768xf32, #tpu.memory_space<vmem>>, vector<16xf32>,
      %parallel_loop3A_30 = vector.shape_cast %parallel_loop3A_29 : vector<16xf32> to vector<16xf32>
      %parallel_loop3A_31 = vector.shape_cast %parallel_loop3A_27 : vector<16xf32> to vector<16xf32>
      tpu.vector_store %arg7[%parallel_loop3A_28], %parallel_loop3A_31 {strides = array<i32>} : memref<32768xf32, #tpu.memory_space<vmem>>, vector<16xf32>,
    } {sc.loop_unroll_factor = 8 : i64, sc.parallel_access}
    "tpu.region"() ({
      %run_scoped3A = tpu.sem_alloc : memref<!tpu.dma_semaphore, #tpu.memory_space<semaphore_mem>>
      %dma_start3A = tpu.memref_slice %arg4[%mul3A_2] : memref<1048576xf32, #tpu.memory_space<hbm>> -> memref<32768xf32, #tpu.memory_space<hbm>>
      %dma_start3A_5 = tpu.memref_slice %arg4[%mul3A_2] : memref<1048576xf32, #tpu.memory_space<hbm>> -> memref<32768xf32, #tpu.memory_space<hbm>>
      tpu.enqueue_dma source(%arg7 : memref<32768xf32, #tpu.memory_space<vmem>>) target(%dma_start3A_5 : memref<32768xf32, #tpu.memory_space<hbm>>) target_semaphore(%run_scoped3A : memref<!tpu.dma_semaphore, #tpu.memory_space<semaphore_mem>>)
      %dma_wait3A = tpu.memref_slice %arg4[%mul3A_2] : memref<1048576xf32, #tpu.memory_space<hbm>> -> memref<32768xf32, #tpu.memory_space<hbm>>
      %dma_wait3A_6 = tpu.memref_slice %arg4[%mul3A_2] : memref<1048576xf32, #tpu.memory_space<hbm>> -> memref<32768xf32, #tpu.memory_space<hbm>>
      tpu.wait_dma2 semaphore(%run_scoped3A : memref<!tpu.dma_semaphore, #tpu.memory_space<semaphore_mem>>) src(%arg7 : memref<32768xf32, #tpu.memory_space<vmem>>) dst(%dma_wait3A_6 : memref<32768xf32, #tpu.memory_space<hbm>>)
      tpu.yield
    }) : () -> ()
    return
  }
}

</mosaic_0001>

<sc_bundles>
// kernel: kernel.3.cloned.1.call-start
scs
__scs_entry_jumppad:
0x0: {  	(pc) =	sbr.rel $0x88, $3  }
0x1: {  	(tag) =	ssettag $0x0;
	lr =	simm.s32 $0x1  }
0x2: {  	[smem:$0x3F9F] =	sst lr;
	_ =	strace $0xD0000000  }
0x3: {  	_ = 	snop  }
0x4: {  	_ = 	snop  }
0x5: {  	_ = 	snop  }
0x6: {  	_ = 	snop  }
0x7: {  	_ = 	snop  }
__scs_overlays_trampoline_lowered:
0x8: {  	[smem:$0x3FAE] =	sst s0  }
0x9: {  	[smem:$0x3FAF] =	sst s1  }
0xa: {  	[smem:$0x3FB0] =	sst s2  }
0xb: {  	[smem:$0x3FB1] =	sst s3  }
0xc: {  	[smem:$0x3FB2] =	sst s4  }
0xd: {  	[smem:$0x3FB3] =	sst s5  }
0xe: {  	[smem:$0x3FB4] =	sst s6  }
0xf: {  	[smem:$0x3FB5] =	sst s7  }
0x10: {  	[smem:$0x3FB6] =	sst s8  }
0x11: {  	[smem:$0x3FB7] =	sst s9;
	s0 =	simm.s32 @!p0 $0x0  }
0x12: {  	s1 =	sld [smem:$0x3F9D];
	s0 =	simm.s32 @p0 $0x1  }
0x13: {  	[smem:$0x3FB8] =	sst s0;
	s0 =	simm.s32 @!p1 $0x0  }
0x14: {  	s2 =	sld [smem:$0x3F9C];
	s0 =	simm.s32 @p1 $0x1  }
0x15: {  	[smem:$0x3FB9] =	sst s0;
	s0 =	simm.s32 @!p2 $0x0  }
0x16: {  	s3 =	sld [smem:$0x3FDB];
	s0 =	simm.s32 @p2 $0x1  }
0x17: {  	s4 =	simm.s32 $0x1BF5;
	[smem:$0x3FBB] =	sst s0  }
0x18: {  	s0 =	sld [smem:$0x3F9E];
	_ =	swait.ge [sflag:s4], $0x0  }
0x19: {  	s7 =	sld [smem:$0x3F9F]  }
0x1a: {  	s8 =	sadd.s32 $0xFFFFE003, lr  }
0x1b: {  	s9 =	sadd.s32 $0xFFFFFEF7, lr;
	s5 =	simm.s32 $0xFFFFFFFF;
	p2 =	slt.u32 s8, $0xFFFFF086  }
0x1c: {  	p1 =	slt.u32 s9, $0xF7A;
	s5 =	simm.s32 @!p2 $0x0  }
0x1d: {  	s5 =	simm.s32 @p1 $0x1;
	p0 =	seq.s32 s7, s2  }
0x1e: {  	s7 =	smul.u32 @!p0 $0xF7A, s2;
	p2 =	seq.s32 @!p0 s5, $0x0  }
0x1f: {  	s9 =	smul.u32 $0xF7A, s1;
	s8 =	simm.s32 @!p0 $0x1BF5;
	p2 =	por !p2, p0  }
0x20: {  	[sflag:s8] =	ssyncset.s32 @!p0 $0xFFFFF086;
	s6 =	sadd.s32 @!p0 s3, s7;
	s7 =	simm.s32 @!p0 $0x108  }
0x21: {  	s3 =	sadd.s32 s3, s9;
	s6 =	sadd.s32 @!p0 $0x88, s6;
	s7 =	simm.s32 @p2 $0x1082  }
0x22: {  	[simem:s7], [sflag:s8] =	dma.local @!p0 [hbm:s6], $0xF7A  }
0x23: {  	s9 =	sor.u32 $0xD0000000, s2;
	s6 =	simm.s32 $0x108;
	_ =	swait.ge @!p0 [sflag:s8], $0x0  }
0x24: {  	s3 =	sadd.s32 $0x88, s3;
	s6 =	simm.s32 @!p1 $0x1082;
	[sflag:s4] =	ssyncset.s32 $0xFFFFF086  }
0x25: {  	[simem:s6], [sflag:s4] =	dma.local [hbm:s3], $0xF7A  }
0x26: {  	[smem:$0x3F9F] =	sst s1;
	(tag) =	ssettag s2;
	_ =	strace s9  }
0x27: {  	s1 =	sld [smem:$0x3FAF]  }
0x28: {  	s2 =	sld [smem:$0x3FB0]  }
0x29: {  	s4 =	sld [smem:$0x3FB2]  }
0x2a: {  	p0 =	seq.s32 s5, $0x0;
	s5 =	sld [smem:$0x3FB3]  }
0x2b: {  	s6 =	sld [smem:$0x3FB4]  }
0x2c: {  	s7 =	sld [smem:$0x3FB5]  }
0x2d: {  	s3 =	simm.s32 $0x108;
	s8 =	sld [smem:$0x3FB6]  }
0x2e: {  	s3 =	simm.s32 @!p0 $0x1082;
	s9 =	sld [smem:$0x3FB7]  }
0x2f: {  	lr =	sadd.s32 s0, s3;
	s0 =	sld [smem:$0x3FAE]  }
0x30: {  	s3 =	sld [smem:$0x3FB1]  }
0x31: {  	[smem:$0x3FBA] =	sst s10  }
0x32: {  	s10 =	sld [smem:$0x3FB8];
	_ =	sdelay $0x3  }
0x33: {  	p0 =	seq.s32 s10, $0x1;
	s10 =	sld [smem:$0x3FBA];
	_ =	sdelay $0x3  }
0x34: {  	[smem:$0x3FBA] =	sst s10  }
0x35: {  	s10 =	sld [smem:$0x3FB9];
	_ =	sdelay $0x3  }
0x36: {  	p1 =	seq.s32 s10, $0x1;
	s10 =	sld [smem:$0x3FBA];
	_ =	sdelay $0x3  }
0x37: {  	[smem:$0x3FBA] =	sst s10  }
0x38: {  	s10 =	sld [smem:$0x3FBB]  }
0x39: {  	_ = 	snop;
	(pc) =	sbr.ind lr, $3  }
0x3a: {  	_ = 	snop  }
0x3b: {  	_ = 	snop  }
0x3c: {  	p2 =	seq.s32 s10, $0x1;
	s10 =	sld [smem:$0x3FBA]  }
0x3d: {  	_ =	shalt  }
0x3e: {  	_ =	shalt  }
0x3f: {  	_ =	shalt  }
0x40: {  	_ =	shalt  }
0x41: {  	_ =	shalt  }
0x42: {  	_ =	shalt  }
0x43: {  	_ =	shalt  }
0x44: {  	_ =	shalt  }
0x45: {  	_ =	shalt  }
0x46: {  	_ =	shalt  }
0x47: {  	_ =	shalt  }
0x48: {  	_ =	shalt  }
0x49: {  	_ =	shalt  }
0x4a: {  	_ =	shalt  }
0x4b: {  	_ =	shalt  }
0x4c: {  	_ =	shalt  }
0x4d: {  	_ =	shalt  }
0x4e: {  	_ =	shalt  }
0x4f: {  	_ =	shalt  }
0x50: {  	_ =	shalt  }
0x51: {  	_ =	shalt  }
0x52: {  	_ =	shalt  }
0x53: {  	_ =	shalt  }
0x54: {  	_ =	shalt  }
0x55: {  	_ =	shalt  }
0x56: {  	_ =	shalt  }
0x57: {  	_ =	shalt  }
0x58: {  	_ =	shalt  }
0x59: {  	_ =	shalt  }
0x5a: {  	_ =	shalt  }
0x5b: {  	_ =	shalt  }
0x5c: {  	_ =	shalt  }
0x5d: {  	_ =	shalt  }
0x5e: {  	_ =	shalt  }
0x5f: {  	_ =	shalt  }
0x60: {  	_ =	shalt  }
0x61: {  	_ =	shalt  }
0x62: {  	_ =	shalt  }
0x63: {  	_ =	shalt  }
0x64: {  	_ =	shalt  }
0x65: {  	_ =	shalt  }
0x66: {  	_ =	shalt  }
0x67: {  	_ =	shalt  }
0x68: {  	_ =	shalt  }
0x69: {  	_ =	shalt  }
0x6a: {  	_ =	shalt  }
0x6b: {  	_ =	shalt  }
0x6c: {  	_ =	shalt  }
0x6d: {  	_ =	shalt  }
0x6e: {  	_ =	shalt  }
0x6f: {  	_ =	shalt  }
0x70: {  	_ =	shalt  }
0x71: {  	_ =	shalt  }
0x72: {  	_ =	shalt  }
0x73: {  	_ =	shalt  }
0x74: {  	_ =	shalt  }
0x75: {  	_ =	shalt  }
0x76: {  	_ =	shalt  }
0x77: {  	_ =	shalt  }
0x78: {  	_ =	shalt  }
0x79: {  	_ =	shalt  }
0x7a: {  	_ =	shalt  }
0x7b: {  	_ =	shalt  }
0x7c: {  	_ =	shalt  }
0x7d: {  	_ =	shalt  }
0x7e: {  	_ =	shalt  }
0x7f: {  	_ =	shalt  }
0x80: {  	_ =	shalt  }
0x81: {  	_ =	shalt  }
0x82: {  	_ =	shalt  }
0x83: {  	_ =	shalt  }
0x84: {  	_ =	shalt  }
0x85: {  	_ =	shalt  }
0x86: {  	_ =	shalt  }
0x87: {  	_ =	shalt  }
.Lfunc_end0:
.L_simem_size_0:
called_computation_lowered:
.L_overlay_start_0:
0x88: {  	s2 =	sld [smem:$0x3FD9]  }
0x89: {  	s3 =	sld [smem:$0x3FFE];
	_ =	sdelay $0x1  }
0x8a: {  	s1 =	srdreg.scid  }
0x8b: {  	s0 =	sand.u32 $0x1, s1  }
0x8c: {  	s18 =	sshll.u32 s0, $0xA;
	s2 =	sadd.s32 s3, s2  }
0x8d: {  	s2 =	sadd.s32 s2, s18  }
0x8e: {  	[smem:$0x3FC6] =	sst s2  }
0x8f: {  	_ = 	snop  }
0x90: {  	s2 =	sld [smem:$0x3FC9]  }
0x91: {  	s19 =	sld [smem:$0x3FC8]  }
0x92: {  	s4 =	sld [smem:$0x3FD0];
	(tm) =	ssettm $0x1  }
0x93: {  	s5 =	sld [smem:$0x3FFB];
	_ =	sdelay $0x3  }
0x94: {  	_ =	strace s5  }
0x95: {  	s5 =	sld [smem:$0x3FFC];
	_ =	sdelay $0x3  }
0x96: {  	_ =	strace s5  }
0x97: {  	s5 =	sld [smem:$0x3FFD];
	_ =	sdelay $0x3  }
0x98: {  	_ =	strace s5  }
0x99: {  	_ =	strace $0x8FFFFFFF  }
0x9a: {  	s20 =	sld [smem:$0x3FDB];
	_ =	sdelay $0x1  }
0x9b: {  	s6 =	simm.s32 $_scs_section_size  }
0x9c: {  	s7 =	simm.s32 $_size__tile_overlayer_lowered;
	s8 =	simm.s32 $_tile_overlayer_lowered  }
0x9d: {  	s23 =	simm.s32 $0x1BFF;
	s22 =	sshll.u32 s8, $0x1;
	s5 =	sadd.s32 s6, s20  }
0x9e: {  	s9 =	simm.s32 $0x0;
	s21 =	sshll.u32 s7, $0x1;
	s7 =	sadd.s32 s22, s5  }
0x9f: {  	[timem:s9], [sflag:s23] =	dma.local [hbm:s7], s21  }
0xa0: {  	_ =	swait.ge [sflag:s23], s21  }
0xa1: {  	s6 =	ssub.s32 $0x0, s21;
	[sflag:s23] =	ssyncset.done $0x0  }
0xa2: {  	[sflag:s23] =	ssyncadd.s32 s6;
	_ =	sdelay $0x1  }
0xa3: {  	s24 =	simm.s32 $0x1B8B  }
0xa4: {  	_ =	swait.ge [sflag:s24], $0x1  }
0xa5: {  	[sflag:s24] =	ssyncset.done $0x0  }
0xa6: {  	s25 =	simm.s32 $0x1B8E;
	[sflag:s24] =	ssyncadd.s32 $0xFFFFFFFF  }
0xa7: {  	s26 =	simm.s32 $execute0_lowered;
	[smem:$0x3FD2] =	sst s25  }
0xa8: {  	s6 =	sshll.u32 s26, $0x1;
	_ =	strace $0x80000046;
	[dreg:$0x1] =	wrdreg $0xFFFFFFFF  }
0xa9: {  	s28 =	simm.s32 $_size_execute0_lowered;
	s5 =	sadd.s32 s5, s6;
	[dreg:$0x0] =	wrdreg $0x0  }
0xaa: {  	s6 =	sshll.u32 s28, $0x1;
	[dreg:$0x2] =	wrdreg s5  }
0xab: {  	[dreg:$0x3] =	wrdreg s6  }
0xac: {  	[dreg:$0x4] =	wrdreg $0xC0  }
0xad: {  	_ =	task [dreg:s9], $0x5FFFF  }
0xae: {  	[dreg:$0x1] =	wrdreg $0xFFFFFFFF  }
0xaf: {  	[dreg:$0x0] =	wrdreg $0x60  }
0xb0: {  	[dreg:$0x2] =	wrdreg s2  }
0xb1: {  	[dreg:$0x3] =	wrdreg s19  }
0xb2: {  	[dreg:$0x4] =	wrdreg s4  }
0xb3: {  	[dreg:$0x5] =	wrdreg $0x9  }
0xb4: {  	_ =	task.clear_ibuf [dreg:s9], $0x6FFFF;
	_ =	strace $0x90000046  }
0xb5: {  	s29 =	simm.s32 $0x9;
	_ =	strace $0x80000048  }
0xb6: {  	_ =	swait.ge [sflag:s29], $0x1  }
0xb7: {  	[sflag:s29] =	ssyncadd.s32 $0xFFFFFFFF  }
0xb8: {  	_ =	strace $0x90000048  }
0xb9: {  	_ =	sfence  }
0xba: {  	s30 =	sld [smem:$0x0];
	_ =	sdelay $0x2  }
0xbb: {  	s31 =	sshll.u32 s1, $0xD;
	s1 =	sshrl.u32 s1, $0x2  }
0xbc: {  	s3 =	sand.u32 $0x4000, s31;
	s1 =	sadd.s32 s1, s30  }
0xbd: {  	s0 =	sor.u32 s3, s0;
	s1 =	sshll.u32 s1, $0x11  }
0xbe: {  	s0 =	sor.u32 s1, s0  }
0xbf: {  	s0 =	sadd.s32 $0x8F2B, s0  }
0xc0: {  	[sflag:s0] =	ssyncadd.remote.s32 $0x1  }
0xc1: {  	_ =	sfence.sel $0xFFFF  }
0xc2: {  	[dreg:$0x0] =	wrdreg $0xFFFFFFFF;
	(pc) =	sbr.abs _section_cstart, $3  }
0xc3: {  	[dreg:$0x1] =	wrdreg $0xFFFFFFFF  }
0xc4: {  	_ =	task.clear_ibuf [dreg:s9], $0x2FFFF;
	_ =	strace $0x9FFFFFFF  }
0xc5: {  	(tm) =	ssettm $0x7FFFFFFF  }
tec
execute0_lowered:
.L_overlay_start_1:
0x0: {  	(tag) =	ssettag $0x1  }
0x1: {  	s3 =	rddreg [dreg:$0x0]  }
0x2: {  	s4 =	rddreg [dreg:$0x1]  }
0x3: {  	s5 =	rddreg [dreg:$0x2]  }
0x4: {  	s0 =	rddreg [dreg:$0x3];
	s2 =	simm.s32 $0x0;
	s6 =	srdreg.scid  }
0x5: {  	s1 =	stileid.u32;
	s10 =	simm.s32 $0x0;
	s6 =	sand.u32 $0x1, s6  }
0x6: {  	[smem:$0x7FF] =	sst s2;
	s8 =	sshll.u32 s1, $0xD;
	s7 =	ssub.s32 $0x2, s6  }
0x7: {  	s6 =	sshll.u32 s6, $0xC;
	_ =	strace $0x80000047;
	s9 =	sshrl.u32 s7, $0x1  }
0x8: {  	s6 =	sor.u32 s6, s8;
	s8 =	simm.s32 $0x8000;
	s7 =	ssub.s32 s7, s9  }
0x9: {  	s3 =	sadd.s32 s3, s6;
	s4 =	sadd.s32 s4, s6;
	s5 =	sadd.s32 s5, s6  }
0xa: {  	s9 =	simm.s32 $0x10000;
	s6 =	smax.u32 s7, $0x1;
	s7 =	simm.s32 $0x1  }
.LBB2_1:
0xb: {  	[tilespmem:s2], [sflag:$0x1] =	stream.linear.gather [hbm4b:s3+s2], $0x8000, $0x38;
	[tilespmem:$0x18000] =	vst v63  }
0xc: {  	_ =	swait.ge [sflag:s7], $0x8000  }
0xd: {  	[sflag:s7] =	ssyncset.done $0x0  }
0xe: {  	[sflag:s7] =	ssyncadd.s32 $0xFFFF8000  }
0xf: {  	[tilespmem:s8], [sflag:$0x1] =	stream.linear.gather [hbm4b:s4+s2], $0x8000, $0x38;
	[tilespmem:$0x18000] =	vst v63  }
0x10: {  	_ =	swait.ge [sflag:s7], $0x8000  }
0x11: {  	[sflag:s7] =	ssyncset.done $0x0  }
0x12: {  	s11 =	simm.s32 $0x40;
	[sflag:s7] =	ssyncadd.s32 $0xFFFF8000  }
0x13: {  	v0 =	vld [tilespmem:s11+$0xFFFFFFD0]  }
0x14: {  	s12 =	simm.s32 $0x8040;
	v1 =	vld [tilespmem:s11+$0xFFFFFFC0]  }
0x15: {  	v2 =	vld [tilespmem:s12+$0xFFFFFFF0]  }
0x16: {  	v3 =	vld [tilespmem:s12+$0x10]  }
0x17: {  	v4 =	vld [tilespmem:s12+$0x20]  }
0x18: {  	v5 =	vld [tilespmem:s12+$0xFFFFFFE0]  }
0x19: {  	v6 =	vld [tilespmem:s12+$0x0]  }
0x1a: {  	v7 =	vld [tilespmem:s12+$0x30]  }
0x1b: {  	v8 =	vld [tilespmem:s11+$0x10]  }
0x1c: {  	v9 =	vld [tilespmem:s11+$0x30]  }
0x1d: {  	v10 =	vld [tilespmem:s11+$0x0]  }
0x1e: {  	v11 =	vld [tilespmem:s12+$0xFFFFFFD0]  }
0x1f: {  	v12 =	vld [tilespmem:s11+$0xFFFFFFE0]  }
0x20: {  	v13 =	vld [tilespmem:s11+$0xFFFFFFF0]  }
0x21: {  	v14 =	vld [tilespmem:s11+$0x20]  }
0x22: {  	s28 =	simm.s32 $0xC0;
	v15 =	vld [tilespmem:s12+$0xFFFFFFC0]  }
0x23: {  	v16 =	vld [tilespmem:s28+$0xFFFFFFD0]  }
0x24: {  	s29 =	simm.s32 $0x80C0;
	v17 =	vld [tilespmem:s28+$0xFFFFFFC0]  }
0x25: {  	v18 =	vld [tilespmem:s29+$0xFFFFFFF0]  }
0x26: {  	v19 =	vld [tilespmem:s29+$0x10];
	v7 =	vsub.f32 v9, v7  }
0x27: {  	v20 =	vld [tilespmem:s29+$0x30]  }
0x28: {  	s31 =	simm.s32 $0x8140;
	v21 =	vld [tilespmem:s28+$0xFFFFFFE0];
	v3 =	vsub.f32 v8, v3;
	v7 =	vmul.f32 $1.000000000e+01, v7  }
0x29: {  	v51 =	vld [tilespmem:s31+$0x30];
	v0 =	vsub.f32 v0, v11;
	v1 =	vsub.f32 v1, v15  }
0x2a: {  	v8 =	vld [tilespmem:s29+$0x0];
	v2 =	vsub.f32 v13, v2;
	v3 =	vmul.f32 $1.000000000e+01, v3;
	v7 =	vsub.f32 $0.0e+00, v7  }
0x2b: {  	v11 =	vld [tilespmem:s28+$0x10];
	v6 =	vsub.f32 v10, v6;
	v5 =	vsub.f32 v12, v5;
	v0 =	vmul.f32 $1.000000000e+01, v0  }
0x2c: {  	v15 =	vld [tilespmem:s28+$0x30];
	v1 =	vmul.f32 $1.000000000e+01, v1;
	v3 =	vsub.f32 $0.0e+00, v3;
	v7 =	vmul.f32 $1.442695020e+00, v7  }
0x2d: {  	v10 =	vld [tilespmem:s29+$0xFFFFFFD0];
	v2 =	vmul.f32 $1.000000000e+01, v2;
	v6 =	vmul.f32 $1.000000000e+01, v6;
	v0 =	vsub.f32 $0.0e+00, v0  }
0x2e: {  	v12 =	vld [tilespmem:s28+$0xFFFFFFF0];
	v3 =	vmul.f32 $1.442695020e+00, v3;
	(erf) = vpow2.f32 v7  }
0x2f: {  	v13 =	vld [tilespmem:s28+$0x0];
	v4 =	vsub.f32 v14, v4;
	v5 =	vmul.f32 $1.000000000e+01, v5;
	v0 =	vmul.f32 $1.442695020e+00, v0  }
0x30: {  	s30 =	simm.s32 $0x140;
	v9 =	vld [tilespmem:s29+$0xFFFFFFE0];
	v1 =	vsub.f32 $0.0e+00, v1;
	v2 =	vsub.f32 $0.0e+00, v2;
	(erf) = vpow2.f32 v3  }
0x31: {  	v22 =	vld [tilespmem:s30+$0x10];
	v6 =	vsub.f32 $0.0e+00, v6;
	v5 =	vsub.f32 $0.0e+00, v5;
	(erf) = vpow2.f32 v0  }
0x32: {  	v23 =	vld [tilespmem:s30+$0x30];
	v4 =	vmul.f32 $1.000000000e+01, v4;
	v11 =	vsub.f32 v11, v19;
	v15 =	vsub.f32 v15, v20  }
0x33: {  	v24 =	vld [tilespmem:s30+$0x0];
	v10 =	vsub.f32 v16, v10;
	v12 =	vsub.f32 v12, v18;
	v1 =	vmul.f32 $1.442695020e+00, v1  }
0x34: {  	v25 =	vld [tilespmem:s31+$0xFFFFFFD0];
	v8 =	vsub.f32 v13, v8;
	v2 =	vmul.f32 $1.442695020e+00, v2;
	v11 =	vmul.f32 $1.000000000e+01, v11  }
0x35: {  	v53 =	vld [tilespmem:s31+$0xFFFFFFC0];
	v9 =	vsub.f32 v21, v9;
	v10 =	vmul.f32 $1.000000000e+01, v10;
	v12 =	vmul.f32 $1.000000000e+01, v12  }
0x36: {  	v19 =	vld [tilespmem:s28+$0x20];
	v5 =	vmul.f32 $1.442695020e+00, v5;
	v11 =	vsub.f32 $0.0e+00, v11;
	v0 =	vmul.f32 $1.000000000e+01, v15  }
0x37: {  	v13 =	vld [tilespmem:s30+$0xFFFFFFD0];
	v8 =	vmul.f32 $1.000000000e+01, v8;
	v10 =	vsub.f32 $0.0e+00, v10;
	v12 =	vsub.f32 $0.0e+00, v12;
	v18 =	vpop (erf)  }
0x38: {  	v55 =	vmul.f32 $1.000000000e+01, v9;
	v7 =	vld [tilespmem:s29+$0xFFFFFFC0];
	v0 =	vsub.f32 $0.0e+00, v0;
	v18 =	vadd.f32 $1.000000000e+00, v18  }
0x39: {  	v3 =	vld [tilespmem:s29+$0x20];
	v8 =	vsub.f32 $0.0e+00, v8;
	v11 =	vmul.f32 $1.442695020e+00, v11;
	(erf) = vpow2.f32 v1;
	v52 =	vpop (erf)  }
0x3a: {  	v14 =	vld [tilespmem:s31+$0x10];
	v1 =	vsub.f32 $0.0e+00, v4;
	v0 =	vmul.f32 $1.442695020e+00, v0;
	v4 =	vpop (erf);
	(erf) = vrcp.f32 v18  }
0x3b: {  	v16 =	vld [tilespmem:s31+$0xFFFFFFE0];
	v18 =	vadd.f32 $1.000000000e+00, v4;
	v4 =	vmul.f32 $1.442695020e+00, v6;
	(erf) = vpow2.f32 v2  }
0x3c: {  	v13 =	vsub.f32 v13, v25;
	v1 =	vmul.f32 $1.442695020e+00, v1;
	v6 =	vld [tilespmem:s30+$0xFFFFFFE0];
	(erf) = vpow2.f32 v0  }
0x3d: {  	v10 =	vmul.f32 $1.442695020e+00, v10;
	v7 =	vsub.f32 v17, v7;
	v0 =	vld [tilespmem:s30+$0xFFFFFFC0];
	(erf) = vpow2.f32 v4  }
0x3e: {  	v12 =	vmul.f32 $1.442695020e+00, v12;
	v17 =	vld [tilespmem:s31+$0x0];
	v3 =	vsub.f32 v19, v3;
	(erf) = vpow2.f32 v1  }
0x3f: {  	v14 =	vsub.f32 v22, v14;
	v7 =	vmul.f32 $1.000000000e+01, v7;
	(erf) = vpow2.f32 v5  }
0x40: {  	v20 =	vsub.f32 v23, v51;
	v28 =	vmul.f32 $1.442695020e+00, v8;
	v3 =	vmul.f32 $1.000000000e+01, v3  }
0x41: {  	v15 =	vld [tilespmem:s31+$0xFFFFFFF0];
	v7 =	vsub.f32 $0.0e+00, v7;
	v4 =	vsub.f32 v6, v16;
	(erf) = vpow2.f32 v11  }
0x42: {  	s13 =	simm.s32 $0x81C0;
	v2 =	vld [tilespmem:s30+$0xFFFFFFF0];
	v6 =	vmul.f32 $1.000000000e+01, v13;
	v13 =	vpop (erf);
	(erf) = vrcp.f32 v18;
	v0 =	vsub.f32 v0, v53  }
0x43: {  	v54 =	vld [tilespmem:s13+$0x10];
	v17 =	vsub.f32 v24, v17;
	(erf) = vpow2.f32 v10;
	v10 =	vadd.f32 $1.000000000e+00, v13;
	v16 =	vpop (erf)  }
0x44: {  	v56 =	vld [tilespmem:s13+$0xFFFFFFE0];
	v21 =	vadd.f32 $1.000000000e+00, v52;
	v1 =	vmul.f32 $1.000000000e+01, v14;
	v0 =	vmul.f32 $1.000000000e+01, v0;
	v13 =	vpop (erf)  }
0x45: {  	s16 =	simm.s32 $0x1C0;
	v58 =	vld [tilespmem:s13+$0x0];
	v3 =	vsub.f32 $0.0e+00, v3;
	v7 =	vmul.f32 $1.442695020e+00, v7;
	v14 =	vmul.f32 $1.000000000e+01, v20;
	v19 =	vpop (erf)  }
0x46: {  	v60 =	vld [tilespmem:s16+$0x10];
	v1 =	vsub.f32 $0.0e+00, v1;
	(erf) = vrcp.f32 v21;
	v0 =	vsub.f32 $0.0e+00, v0;
	v9 =	vpop (erf)  }
0x47: {  	v26 =	vld [tilespmem:s16+$0x30];
	v2 =	vsub.f32 v2, v15;
	v13 =	vadd.f32 $1.000000000e+00, v13;
	(erf) = vrcp.f32 v10;
	v10 =	vpop (erf)  }
0x48: {  	v11 =	vld [tilespmem:s31+$0x20];
	v57 =	vmul.f32 $1.442695020e+00, v1;
	v9 =	vadd.f32 $1.000000000e+00, v9;
	v1 =	vmul.f32 $1.442695020e+00, v0;
	v59 =	vpop (erf)  }
0x49: {  	v15 =	vld [tilespmem:s30+$0x20];
	v10 =	vadd.f32 $1.000000000e+00, v10;
	(erf) = vrcp.f32 v13;
	v0 =	vadd.f32 $1.000000000e+00, v59  }
0x4a: {  	v5 =	vmul.f32 $1.000000000e+01, v17;
	v14 =	vsub.f32 $0.0e+00, v14;
	v13 =	vld [tilespmem:s13+$0x30];
	(erf) = vrcp.f32 v9  }
0x4b: {  	v27 =	vld [tilespmem:s13+$0xFFFFFFD0];
	v6 =	vsub.f32 $0.0e+00, v6;
	v2 =	vmul.f32 $1.000000000e+01, v2;
	(erf) = vrcp.f32 v10  }
0x4c: {  	v62 =	vld [tilespmem:s16+$0xFFFFFFE0];
	v14 =	vmul.f32 $1.442695020e+00, v14;
	v19 =	vadd.f32 $1.000000000e+00, v19;
	v9 =	vpop (erf);
	(erf) = vrcp.f32 v0  }
0x4d: {  	s12 =	simm.s32 $0x10040;
	v2 =	vsub.f32 $0.0e+00, v2;
	v10 =	vmul.f32 $1.442695020e+00, v6;
	v6 =	vld [tilespmem:s16+$0x0];
	(erf) = vpow2.f32 v7;
	v0 =	vpop (erf)  }
0x4e: {  	v17 =	vld [tilespmem:s16+$0xFFFFFFD0];
	[tilespmem:s12+$0x30] =	vst v16;
	v16 =	vmul.f32 $1.442695020e+00, v3;
	v15 =	vsub.f32 v15, v11;
	v61 =	vpop (erf);
	(erf) = vrcp.f32 v19  }
0x4f: {  	v29 =	vld [tilespmem:s16+$0xFFFFFFF0];
	v7 =	vsub.f32 $0.0e+00, v55;
	v13 =	vsub.f32 v26, v13;
	(erf) = vpow2.f32 v12  }
0x50: {  	v18 =	vld [tilespmem:s13+$0xFFFFFFF0];
	v8 =	vmul.f32 $1.442695020e+00, v2;
	[tilespmem:s12+$0xFFFFFFD0] =	vst v0;
	v0 =	vpop (erf);
	v12 =	vsub.f32 v60, v54;
	(erf) = vpow2.f32 v14  }
0x51: {  	v3 =	vld [tilespmem:s16+$0xFFFFFFC0];
	v7 =	vmul.f32 $1.442695020e+00, v7;
	v19 =	vadd.f32 $1.000000000e+00, v61;
	[tilespmem:s12+$0x10] =	vst v0;
	v0 =	vpop (erf);
	(erf) = vpow2.f32 v28  }
0x52: {  	v2 =	vsub.f32 v6, v58;
	v14 =	vld [tilespmem:s13+$0xFFFFFFC0];
	[tilespmem:s12+$0xFFFFFFC0] =	vst v0;
	v12 =	vmul.f32 $1.000000000e+01, v12;
	v6 =	vpop (erf);
	(erf) = vpow2.f32 v16  }
0x53: {  	v16 =	vsub.f32 v17, v27;
	v17 =	vmul.f32 $1.000000000e+01, v13;
	[tilespmem:s12+$0xFFFFFFF0] =	vst v6;
	v13 =	vpop (erf);
	(erf) = vpow2.f32 v7  }
0x54: {  	s14 =	simm.s32 $0x100C0;
	s15 =	simm.s32 $0x18;
	s17 =	simm.s32 $0x8240;
	v9 =	vadd.f32 $1.000000000e+00, v9;
	v0 =	vld [tilespmem:s13+$0x20];
	v2 =	vmul.f32 $1.000000000e+01, v2;
	[tilespmem:s12+$0x0] =	vst v13;
	v63 =	vpop (erf);
	(erf) = vpow2.f32 v57  }
0x55: {  	s11 =	simm.s32 $0x10140;
	s13 =	simm.s32 $0x10140;
	v6 =	vld [tilespmem:s16+$0x20];
	s16 =	simm.s32 $0x240;
	v7 =	vsub.f32 v62, v56;
	v13 =	vsub.f32 v29, v18;
	[tilespmem:s12+$0x20] =	vst v63;
	v11 =	vpop (erf);
	(erf) = vrcp.f32 v19  }
.LBB2_2:
0x56: {  	v18 =	vld [tilespmem:s16+$0xFFFFFFD0];
	s15 =	sadd.s32 $0x8, s15;
	v16 =	vmul.f32 $1.000000000e+01, v16;
	v12 =	vsub.f32 $0.0e+00, v12;
	v17 =	vsub.f32 $0.0e+00, v17;
	s11 =	sadd.s32 $0x80, s11;
	v19 =	vpop (erf);
	[tilespmem:s12+$0xFFFFFFE0] =	vst v11;
	s12 =	smov.u32 s14  }
0x57: {  	s14 =	smov.u32 s13;
	p0 =	slt.u32 s15, $0x7F8;
	v11 =	vsub.f32 v3, v14;
	v3 =	vld [tilespmem:s16+$0xFFFFFFC0];
	v22 =	vmul.f32 $1.000000000e+01, v13;
	(erf) = vpow2.f32 v10;
	v10 =	vpop (erf);
	s13 =	smov.u32 s11  }
0x58: {  	v23 =	vadd.f32 $1.000000000e+00, v19;
	v20 =	vld [tilespmem:s17+$0xFFFFFFF0];
	v14 =	vsub.f32 $0.0e+00, v16;
	v19 =	vpop (erf);
	(erf) = vrcp.f32 v9  }
0x59: {  	v21 =	vld [tilespmem:s17+$0x10];
	v9 =	vmul.f32 $1.000000000e+01, v11;
	v11 =	vsub.f32 $0.0e+00, v22;
	v13 =	vpop (erf);
	v19 =	vadd.f32 $1.000000000e+00, v19  }
0x5a: {  	v4 =	vmul.f32 $1.000000000e+01, v4;
	v22 =	vld [tilespmem:s17+$0x20];
	v13 =	vadd.f32 $1.000000000e+00, v13;
	(erf) = vrcp.f32 v23;
	v16 =	vpop (erf)  }
0x5b: {  	v24 =	vmul.f32 $1.442695020e+00, v12;
	v23 =	vld [tilespmem:s17+$0xFFFFFFE0];
	v28 =	vsub.f32 $0.0e+00, v9;
	v12 =	vadd.f32 $1.000000000e+00, v16;
	[tilespmem:s12+$0x30] =	vst v10;
	v10 =	vpop (erf)  }
0x5c: {  	v5 =	vsub.f32 $0.0e+00, v5;
	v16 =	vld [tilespmem:s17+$0x0];
	v10 =	vadd.f32 $1.000000000e+00, v10;
	v25 =	vpop (erf);
	(erf) = vrcp.f32 v19  }
0x5d: {  	v19 =	vld [tilespmem:s17+$0x30];
	v26 =	vmul.f32 $1.442695020e+00, v28;
	v9 =	vpop (erf);
	v29 =	vadd.f32 $1.000000000e+00, v25;
	(erf) = vrcp.f32 v12  }
0x5e: {  	v15 =	vmul.f32 $1.000000000e+01, v15;
	v12 =	vld [tilespmem:s16+$0x10];
	v9 =	vadd.f32 $1.000000000e+00, v9;
	v27 =	vpop (erf);
	(erf) = vrcp.f32 v10  }
0x5f: {  	v25 =	vmovc v0;
	v10 =	vmul.f32 $1.442695020e+00, v14;
	v14 =	vsub.f32 $0.0e+00, v4;
	v28 =	vld [tilespmem:s16+$0x30];
	[tilespmem:s12+$0xFFFFFFD0] =	vst v27;
	(erf) = vrcp.f32 v29;
	v0 =	vmovc v22  }
0x60: {  	v17 =	vmul.f32 $1.442695020e+00, v17;
	v30 =	vsub.f32 $0.0e+00, v15;
	v22 =	vld [tilespmem:s16+$0x0];
	(erf) = vpow2.f32 v1;
	v1 =	vpop (erf)  }
0x61: {  	v31 =	vmul.f32 $1.442695020e+00, v5;
	v15 =	vld [tilespmem:s17+$0xFFFFFFD0];
	v27 =	vadd.f32 $1.000000000e+00, v1;
	(erf) = vrcp.f32 v13;
	v1 =	vpop (erf)  }
0x62: {  	v4 =	vmovc v7;
	v29 =	vmul.f32 $1.442695020e+00, v30;
	v13 =	vld [tilespmem:s16+$0xFFFFFFE0];
	(erf) = vpow2.f32 v8;
	[tilespmem:s12+$0x10] =	vst v1;
	v1 =	vmovc v26;
	v26 =	vmov v6  }
0x63: {  	v30 =	vld [tilespmem:s16+$0xFFFFFFF0];
	v32 =	vsub.f32 v12, v21;
	(erf) = vpow2.f32 v17;
	v21 =	vmul.f32 $1.442695020e+00, v14;
	v12 =	vpop (erf)  }
.Ltmp0:
0x64: {  	v5 =	vmovc v2;
	v8 =	vmul.f32 $1.442695020e+00, v11;
	v6 =	vld [tilespmem:s16+$0x20];
	v17 =	vsub.f32 v28, v19;
	(erf) = vpow2.f32 v31;
	[tilespmem:s12+$0xFFFFFFC0] =	vst v12;
	(pc) =	sbr.rel @p0 .LBB2_2-.Ltmp0, $4  }
0x65: {  	v14 =	vld [tilespmem:s17+$0xFFFFFFC0];
	v2 =	vsub.f32 v22, v16;
	v12 =	vmul.f32 $1.000000000e+01, v32;
	(erf) = vpow2.f32 v29;
	v7 =	vpop (erf)  }
0x66: {  	v16 =	vsub.f32 v18, v15;
	v17 =	vmul.f32 $1.000000000e+01, v17;
	(erf) = vpow2.f32 v21;
	[tilespmem:s12+$0xFFFFFFF0] =	vst v7;
	v11 =	vpop (erf)  }
0x67: {  	v7 =	vsub.f32 v13, v23;
	v2 =	vmul.f32 $1.000000000e+01, v2;
	(erf) = vpow2.f32 v24;
	[tilespmem:s12+$0x0] =	vst v11;
	v11 =	vpop (erf)  }
0x68: {  	s16 =	sadd.s32 $0x80, s16;
	s17 =	sadd.s32 $0x80, s17;
	v15 =	vsub.f32 v26, v25;
	v13 =	vsub.f32 v30, v20;
	(erf) = vrcp.f32 v27;
	[tilespmem:s12+$0x20] =	vst v11;
	v11 =	vpop (erf)  }
0x69: {  	v18 =	vpop (erf)  }
0x6a: {  	v19 =	vpop (erf)  }
0x6b: {  	v20 =	vpop (erf)  }
0x6c: {  	(erf) = vpow2.f32 v10;
	v49 =	vadd.f32 $1.000000000e+00, v18;
	v50 =	vpop (erf)  }
0x6d: {  	(erf) = vrcp.f32 v9;
	v51 =	vadd.f32 $1.000000000e+00, v20;
	v52 =	vpop (erf)  }
0x6e: {  	(erf) = vrcp.f32 v49;
	v53 =	vadd.f32 $1.000000000e+00, v52;
	v54 =	vpop (erf)  }
0x6f: {  	(erf) = vrcp.f32 v51;
	v20 =	vadd.f32 $1.000000000e+00, v54;
	v55 =	vpop (erf)  }
0x70: {  	(erf) = vrcp.f32 v53;
	v9 =	vadd.f32 $1.000000000e+00, v55  }
0x71: {  	v56 =	vsub.f32 $0.0e+00, v17;
	(erf) = vrcp.f32 v20  }
0x72: {  	v15 =	vmul.f32 $1.000000000e+01, v15;
	v57 =	vadd.f32 $1.000000000e+00, v50;
	(erf) = vrcp.f32 v9  }
0x73: {  	v4 =	vmul.f32 $1.000000000e+01, v4;
	v5 =	vsub.f32 $0.0e+00, v5;
	v58 =	vpop (erf);
	(erf) = vpow2.f32 v1  }
0x74: {  	v10 =	vmul.f32 $1.442695020e+00, v56;
	v15 =	vsub.f32 $0.0e+00, v15;
	v59 =	vpop (erf);
	(erf) = vrcp.f32 v57  }
0x75: {  	v4 =	vsub.f32 $0.0e+00, v4;
	v5 =	vmul.f32 $1.442695020e+00, v5;
	v60 =	vpop (erf);
	(erf) = vpow2.f32 v8  }
0x76: {  	v15 =	vmul.f32 $1.442695020e+00, v15;
	v61 =	vpop (erf);
	(erf) = vpow2.f32 v10  }
0x77: {  	v4 =	vmul.f32 $1.442695020e+00, v4;
	v62 =	vpop (erf);
	(erf) = vpow2.f32 v5  }
0x78: {  	v63 =	vpop (erf);
	(erf) = vpow2.f32 v15  }
0x79: {  	v21 =	vmul.f32 $1.000000000e+01, v16;
	v12 =	vsub.f32 $0.0e+00, v12;
	(erf) = vpow2.f32 v4;
	v22 =	vpop (erf)  }
0x7a: {  	v23 =	vpop (erf)  }
0x7b: {  	v12 =	vmul.f32 $1.442695020e+00, v12;
	v15 =	vsub.f32 $0.0e+00, v21;
	v24 =	vpop (erf)  }
0x7c: {  	v25 =	vadd.f32 $1.000000000e+00, v60;
	v26 =	vpop (erf)  }
0x7d: {  	v0 =	vsub.f32 v6, v0;
	v15 =	vmul.f32 $1.442695020e+00, v15;
	(erf) = vpow2.f32 v12;
	v27 =	vpop (erf)  }
0x7e: {  	v3 =	vsub.f32 v3, v14;
	v9 =	vadd.f32 $1.000000000e+00, v58;
	(erf) = vrcp.f32 v25;
	v28 =	vpop (erf)  }
0x7f: {  	v7 =	vmul.f32 $1.000000000e+01, v7;
	v29 =	vadd.f32 $1.000000000e+00, v26;
	(erf) = vpow2.f32 v15;
	v30 =	vpop (erf)  }
0x80: {  	v3 =	vmul.f32 $1.000000000e+01, v3;
	(erf) = vrcp.f32 v9;
	v31 =	vadd.f32 $1.000000000e+00, v28;
	v32 =	vpop (erf)  }
0x81: {  	v13 =	vmul.f32 $1.000000000e+01, v13;
	(erf) = vrcp.f32 v29;
	v33 =	vadd.f32 $1.000000000e+00, v32;
	v34 =	vpop (erf)  }
0x82: {  	v3 =	vsub.f32 $0.0e+00, v3;
	(erf) = vrcp.f32 v31;
	v14 =	vadd.f32 $1.000000000e+00, v34;
	v35 =	vpop (erf)  }
0x83: {  	v0 =	vmul.f32 $1.000000000e+01, v0;
	v9 =	vadd.f32 $1.000000000e+00, v35;
	(erf) = vrcp.f32 v33  }
0x84: {  	v36 =	vsub.f32 $0.0e+00, v13;
	v3 =	vmul.f32 $1.442695020e+00, v3;
	(erf) = vrcp.f32 v14  }
0x85: {  	v2 =	vsub.f32 $0.0e+00, v2;
	v37 =	vadd.f32 $1.000000000e+00, v30;
	(erf) = vrcp.f32 v9  }
0x86: {  	v0 =	vsub.f32 $0.0e+00, v0;
	v6 =	vmul.f32 $1.442695020e+00, v36;
	v38 =	vpop (erf);
	(erf) = vpow2.f32 v3  }
0x87: {  	v7 =	vsub.f32 $0.0e+00, v7;
	v2 =	vmul.f32 $1.442695020e+00, v2;
	v39 =	vpop (erf);
	(erf) = vrcp.f32 v37  }
0x88: {  	v0 =	vmul.f32 $1.442695020e+00, v0;
	v40 =	vpop (erf);
	(erf) = vpow2.f32 v6  }
0x89: {  	[tilespmem:s12+$0xFFFFFFE0] =	vst v11;
	v7 =	vmul.f32 $1.442695020e+00, v7;
	v41 =	vpop (erf);
	(erf) = vpow2.f32 v2  }
0x8a: {  	[tilespmem:s14+$0x30] =	vst v19;
	v42 =	vpop (erf);
	(erf) = vpow2.f32 v0  }
0x8b: {  	[tilespmem:s14+$0xFFFFFFD0] =	vst v59;
	v43 =	vpop (erf);
	(erf) = vpow2.f32 v7  }
0x8c: {  	[tilespmem:s14+$0x10] =	vst v61;
	v44 =	vpop (erf)  }
0x8d: {  	[tilespmem:s14+$0xFFFFFFC0] =	vst v62;
	v45 =	vpop (erf)  }
0x8e: {  	[tilespmem:s14+$0xFFFFFFF0] =	vst v63;
	v46 =	vpop (erf)  }
0x8f: {  	[tilespmem:s14+$0x0] =	vst v22;
	v47 =	vadd.f32 $1.000000000e+00, v40;
	v48 =	vpop (erf)  }
0x90: {  	[tilespmem:s14+$0x20] =	vst v23;
	v9 =	vadd.f32 $1.000000000e+00, v38;
	v49 =	vpop (erf)  }
0x91: {  	[tilespmem:s14+$0xFFFFFFE0] =	vst v24;
	(erf) = vrcp.f32 v47;
	v50 =	vadd.f32 $1.000000000e+00, v48;
	v51 =	vpop (erf)  }
0x92: {  	[tilespmem:s13+$0x30] =	vst v27;
	(erf) = vrcp.f32 v9;
	v8 =	vadd.f32 $1.000000000e+00, v51;
	v52 =	vpop (erf)  }
0x93: {  	[tilespmem:s13+$0xFFFFFFD0] =	vst v39;
	(erf) = vrcp.f32 v50;
	v53 =	vadd.f32 $1.000000000e+00, v52;
	v54 =	vpop (erf)  }
0x94: {  	[tilespmem:s13+$0x10] =	vst v41;
	v4 =	vadd.f32 $1.000000000e+00, v54;
	v55 =	vpop (erf);
	(erf) = vrcp.f32 v8  }
0x95: {  	[tilespmem:s13+$0xFFFFFFC0] =	vst v42;
	v56 =	vadd.f32 $1.000000000e+00, v55;
	(erf) = vrcp.f32 v53  }
0x96: {  	[tilespmem:s13+$0xFFFFFFF0] =	vst v43;
	(erf) = vrcp.f32 v4  }
0x97: {  	[tilespmem:s13+$0x0] =	vst v44;
	(erf) = vrcp.f32 v56  }
0x98: {  	[tilespmem:s13+$0x20] =	vst v45  }
0x99: {  	s11 =	sadd.s32 $0x80, s11;
	[tilespmem:s13+$0xFFFFFFE0] =	vst v46  }
0x9a: {  	[tilespmem:s11+$0x30] =	vst v49;
	v57 =	vpop (erf)  }
0x9b: {  	[tilespmem:s11+$0xFFFFFFD0] =	vst v57;
	v58 =	vpop (erf)  }
0x9c: {  	[tilespmem:s11+$0x10] =	vst v58;
	v59 =	vpop (erf)  }
0x9d: {  	[tilespmem:s11+$0xFFFFFFC0] =	vst v59;
	v60 =	vpop (erf)  }
0x9e: {  	[tilespmem:s11+$0xFFFFFFF0] =	vst v60;
	v61 =	vpop (erf)  }
0x9f: {  	s10 =	sadd.s32 $0x1, s10;
	[tilespmem:s11+$0x0] =	vst v61;
	v62 =	vpop (erf)  }
0xa0: {  	p0 =	sne.s32 s10, s6;
	[tilespmem:s11+$0x20] =	vst v62;
	v63 =	vpop (erf)  }
.Ltmp1:
0xa1: {  	[tilespmem:s11+$0xFFFFFFE0] =	vst v63;
	(pc) =	sbr.rel @p0 .LBB2_1-.Ltmp1, $4  }
0xa2: {  	[hbm4b:s5+s2] =	stream.linear.scatter [tilespmem:s9], [sflag:$0x1], $0x8000, $0x38;
	[tilespmem:$0x18000] =	vst v63  }
0xa3: {  	_ =	swait.ge [sflag:s7], $0x8000  }
0xa4: {  	[sflag:s7] =	ssyncset.done $0x0  }
0xa5: {  	[sflag:s7] =	ssyncadd.s32 $0xFFFF8000  }
0xa6: {  	_ =	sfence.sel $0x180000  }
0xa7: {  	[bflag:$0x0] =	sbarrier.arrive $0xFFFF  }
0xa8: {  	p0 =	sne.s32 s1, $0x0;
	_ =	strace $0x90000047  }
0xa9: {  	s0 =	sadd.s32 @!p0 $0x100000, s0;
	[bflag:$0x2] =	sbarrier.arrive $0xFFFF  }
0xaa: {  	[sflag:s0] =	ssyncadd.tile.s32 @!p0 $0x1;
	_ =	shalt  }
.Lfunc_end2:
_tile_overlayer_lowered:
.L_overlay_start_2:
0xab: {  	(tag) =	ssettag $0x2  }
0xac: {  	s0 =	rddreg [dreg:$0x0];
	s2 =	stileid.u32  }
0xad: {  	s1 =	rddreg [dreg:$0x1];
	p0 =	sne.s32 s2, $0x0  }
0xae: {  	s3 =	rddreg [dreg:$0x2];
	[bflag:$0x3] =	sbarrier.arrive $0xFFFF;
	s2 =	simm.s32 @!p0 $0x1C01  }
0xaf: {  	[timem:s3], [sflag:s2] =	dma.local @!p0 [hbm:s0], s1  }
0xb0: {  	s0 =	simm.s32 @!p0 $0x1  }
0xb1: {  	_ =	swait.ge @!p0 [sflag:s0], s1  }
0xb2: {  	s1 =	ssub.s32 @!p0 $0x0, s1;
	[sflag:s0] =	ssyncset.done @!p0 $0x0  }
0xb3: {  	[sflag:s0] =	ssyncadd.s32 @!p0 s1  }
0xb4: {  	[bflag:$0x3] =	sbarrier.arrive $0xFFFF  }
0xb5: {  	_ =	shalt  }

</sc_bundles>
